<compile_context>
chip_gen: v7x
topology: tpu7x:2x2x1
jax: 0.10.2.dev20260603
libtpu: 0.0.44.dev20260713+nightly
codegen_flags: <defaults>
</compile_context>

<pallas_src>
import jax
import jax.numpy as jnp
from jax import lax
from jax.experimental import pallas as pl
from jax.experimental.pallas import tpu as pltpu
from jax.experimental.pallas import tpu_sc as plsc

_SC_NC = 2
_SC_NS = 16
_SC_NW = _SC_NC * _SC_NS


def _gather_body(table_hbm, hidx_hbm, tidx_hbm, out_hbm, idx_v, rows_v, sem):
    wid = lax.axis_index("s") * _SC_NC + lax.axis_index("c")
    bpw = idx_v.shape[0]
    half = _SC_NW // 2

    @pl.when(wid < half)
    def _():
        pltpu.sync_copy(hidx_hbm.at[pl.ds(wid * bpw, bpw)], idx_v)

    @pl.when(wid >= half)
    def _():
        pltpu.sync_copy(tidx_hbm.at[pl.ds((wid - half) * bpw, bpw)], idx_v)

    pltpu.async_copy(table_hbm.at[idx_v], rows_v, sem).wait()
    pltpu.sync_copy(rows_v, out_hbm.at[pl.ds(wid * bpw, bpw)])


def _sc_gather(table, hidx, tidx):
    B = hidx.shape[0]
    D = table.shape[1]
    bpw = (2 * B) // _SC_NW
    run = pl.kernel(
        _gather_body,
        out_type=jax.ShapeDtypeStruct((2 * B, D), jnp.float32),
        mesh=plsc.VectorSubcoreMesh(
            core_axis_name="c", subcore_axis_name="s",
            num_cores=_SC_NC, num_subcores=_SC_NS,
        ),
        scratch_types=[
            pltpu.VMEM((bpw,), jnp.int32),
            pltpu.VMEM((bpw, D), jnp.float32),
            pltpu.SemaphoreType.DMA,
        ],
    )
    return run(table, hidx, tidx)


def _prep_body(ent_ref, rule_ref, qr_ref, ne_ref, pe2_ref, peq2_ref, rq_ref, nq_ref):
    R = rule_ref[...]
    D = R.shape[1]
    E = ent_ref[:, :D]
    dn = (((1,), (1,)), ((), ()))
    ones = jnp.ones((1, D), jnp.float32)
    ne_ref[...] = lax.dot_general(ones, E * E, dn, preferred_element_type=jnp.float32)
    pe2_ref[...] = lax.dot_general(
        -2.0 * R, E, dn, preferred_element_type=jnp.float32
    )
    qr = qr_ref[0]
    rq = rule_ref[pl.ds(qr, 1), :]
    rq_ref[...] = rq
    peq2_ref[...] = lax.dot_general(
        2.0 * rq, E, dn, preferred_element_type=jnp.float32
    )
    nq_ref[...] = jnp.sum(rq * rq, keepdims=True).reshape(1, 1)


def _score_body(ent_ref, rule_ref, depth_ref, ht_ref,
                ne_ref, pe2_ref, peq2_ref, rq_ref, nq_ref, out_ref):
    R = rule_ref[...]
    NR = R.shape[0]
    D = R.shape[1]
    E = ent_ref[:, :D]
    N = E.shape[0]
    B = ht_ref.shape[0] // 2
    H = ht_ref[:B, :D]
    T = ht_ref[B:, :D]
    nE_r = ne_ref[...]
    PE2 = pe2_ref[...]
    pEq2_r = peq2_ref[...]
    rq = rq_ref[...]
    nq = nq_ref[0, 0]

    dn = (((1,), (1,)), ((), ()))
    Hm2 = -2.0 * H
    Tm2 = -2.0 * T
    GH2 = lax.dot_general(Hm2, E, dn, preferred_element_type=jnp.float32)
    GT2 = lax.dot_general(Tm2, E, dn, preferred_element_type=jnp.float32)
    ones = jnp.ones((1, D), jnp.float32)
    nH_c = jnp.sum(H * H, axis=1, keepdims=True)
    nT_c = jnp.sum(T * T, axis=1, keepdims=True)
    PH2 = lax.dot_general(H, 2.0 * R, dn, preferred_element_type=jnp.float32)
    nr_r = lax.dot_general(ones, R * R, dn, preferred_element_type=jnp.float32)
    PH2nr = PH2 + nr_r

    pTq2_c = lax.dot_general(Tm2, rq, dn, preferred_element_type=jnp.float32)

    base = GH2 + nH_c + nE_r
    d2q = GT2 + (nE_r + pEq2_r) + (nT_c + pTq2_c + nq)
    acc = jnp.zeros_like(base)
    for rel in range(NR):
        d2 = (base + PH2nr[:, rel : rel + 1]) + PE2[rel : rel + 1, :]
        p = jnp.maximum(d2 * d2q, 1e-35)
        acc = acc + p * lax.rsqrt(p)

    inv_n = jnp.full((1, N), 1.0 / N, jnp.float32)
    score = lax.dot_general(inv_n, acc, dn, preferred_element_type=jnp.float32)

    dv = H + rq - T
    base_out = -jnp.sqrt(
        lax.dot_general(ones, dv * dv, dn, preferred_element_type=jnp.float32)
    )

    d = depth_ref[0]
    out_ref[...] = jnp.where(d == 0, base_out, score)


def kernel(ent_emb, rule_emb, query_relation, head, tail, depth):
    B = head.shape[0]
    N, D = ent_emb.shape
    NR = rule_emb.shape[0]
    qr_i = query_relation.astype(jnp.int32)
    vmem = pl.BlockSpec(memory_space=pltpu.VMEM)
    smem = pl.BlockSpec(memory_space=pltpu.SMEM)

    ent_pad = jnp.pad(ent_emb, ((0, 0), (0, 128 - D)))

    HT = _sc_gather(
        ent_pad, head.astype(jnp.int32), tail.astype(jnp.int32)
    )

    nE_r, PE2, pEq2_r, rq, nqv = pl.pallas_call(
        _prep_body,
        out_shape=[
            jax.ShapeDtypeStruct((1, N), jnp.float32),
            jax.ShapeDtypeStruct((NR, N), jnp.float32),
            jax.ShapeDtypeStruct((1, N), jnp.float32),
            jax.ShapeDtypeStruct((1, D), jnp.float32),
            jax.ShapeDtypeStruct((1, 1), jnp.float32),
        ],
        in_specs=[vmem, vmem, smem],
        out_specs=[vmem, vmem, vmem, vmem, vmem],
    )(ent_pad, rule_emb, qr_i)

    out = pl.pallas_call(
        _score_body,
        out_shape=jax.ShapeDtypeStruct((1, B), jnp.float32),
        in_specs=[vmem, vmem, smem, vmem, vmem, vmem, vmem, vmem, vmem],
        out_specs=vmem,
    )(
        ent_pad,
        rule_emb,
        jnp.asarray(depth, jnp.int32).reshape(1),
        HT,
        nE_r,
        PE2,
        pEq2_r,
        rq,
        nqv,
    )
    return out.reshape(B)

# --- scband reference (transcript-rebuilt; emitter-appended) ---
"""Pipeline reference for scband-neural-theorem-prover-10462540333431 (READ-ONLY COPY).

The authoritative reference and input builder live on the scoring server;
editing this copy changes nothing except your own understanding.
"""

import jax, jax.numpy as jnp
import numpy as np

NUM_ENTITIES = 1000
NUM_RELATIONS = 4
EMBED_DIM = 32
B = 1024


def setup_inputs(seed: int = 0) -> dict:
    key = jax.random.key(seed)
    k1, k2, k3, k4, k5 = jax.random.split(key, 5)
    ent_emb = jax.random.normal(k1, (NUM_ENTITIES, EMBED_DIM), dtype=jnp.float32)
    rule_emb = jax.random.normal(k2, (NUM_RELATIONS, EMBED_DIM), dtype=jnp.float32)
    query_relation = jax.random.randint(k3, (1,), 0, NUM_RELATIONS)
    head = jax.random.randint(k4, (B,), 0, NUM_ENTITIES)
    tail = jax.random.randint(k5, (B,), 0, NUM_ENTITIES)
    return {
        "ent_emb": ent_emb,
        "rule_emb": rule_emb,
        "query_relation": query_relation,
        "head": head,
        "tail": tail,
        "depth": 1,
    }


def reference(ent_emb, rule_emb, query_relation, head, tail, depth):
    def base_case(qr, h, t):
        head_e = jnp.take(ent_emb, h, axis=0)
        tail_e = jnp.take(ent_emb, t, axis=0)
        rel_e = jnp.take(rule_emb, qr, axis=0)
        return -jnp.linalg.norm(head_e + rel_e - tail_e, ord=2, axis=1)

    def prove(qr, h, t, d, max_d):
        if max_d == 0:
            return base_case(qr, h, t)
        score = jnp.zeros(h.shape[0], dtype=jnp.float32)
        for relation in range(NUM_RELATIONS):
            score = score + apply_rule(qr, relation, h, t, d, max_d)
        return jnp.where(d == 0, base_case(qr, h, t), score)

    def apply_rule(qr, relation, h, t, d, max_d):
        Bn = h.shape[0]
        z = jnp.arange(NUM_ENTITIES, dtype=h.dtype)
        head_flat = jnp.repeat(h[:, None], NUM_ENTITIES, axis=1).reshape(-1)
        tail_flat = jnp.repeat(t[:, None], NUM_ENTITIES, axis=1).reshape(-1)
        z_flat = jnp.tile(z[None, :], (Bn, 1)).reshape(-1)
        score1 = prove(jnp.full_like(head_flat, relation), head_flat, z_flat, d - 1, max_d - 1)
        score2 = prove(jnp.tile(qr, z_flat.shape[0]), z_flat, tail_flat, d - 1, max_d - 1)
        combined = (score1 * score2).reshape(Bn, -1)
        return combined.mean(axis=1)

    return prove(query_relation, head, tail, depth, 1)

if __name__ == "__main__":
    import jax
    _d = setup_inputs()
    print(jax.jit(kernel)(*tuple(_d.values())))

</pallas_src>

<mosaic_0001>
#map = affine_map<(d0, d1) -> (0, 0)>
#map1 = affine_map<(d0, d1) -> (0)>
module attributes {stable_mosaic.version = 14 : i64} {
  func.func @_gather_body(%arg0: i32, %arg1: i32, %arg2: memref<1000x128xf32, #tpu.memory_space<hbm>>, %arg3: memref<1024xi32, #tpu.memory_space<hbm>>, %arg4: memref<1024xi32, #tpu.memory_space<hbm>>, %arg5: memref<2048x128xf32, #tpu.memory_space<hbm>>, %arg6: memref<64xi32, #tpu.memory_space<vmem>>, %arg7: memref<64x128xf32, #tpu.memory_space<vmem>>, %arg8: memref<!tpu.dma_semaphore, #tpu.memory_space<semaphore_mem>>) attributes {dimension_semantics = [#tpu.dimension_semantics<core_parallel>, #tpu.dimension_semantics<subcore_parallel>], iteration_bounds = array<i64: 2, 16>, scalar_prefetch = 0 : i64, scratch_operands = 3 : i64, tpu.core_type = #tpu.core_type<sc_vector_subcore>, window_params = [{transform_indices = #map}, {transform_indices = #map1}, {transform_indices = #map1}, {transform_indices = #map}]} {
    %mul3A = arith.constant 2 : i32
    %mul3A_0 = arith.muli %arg1, %mul3A : i32
    %add3A = arith.addi %mul3A_0, %arg0 : i32
    %lt3A = arith.constant 16 : i32
    %lt3A_1 = arith.cmpi slt, %add3A, %lt3A : i32
    %convert_element_type3A = arith.extui %lt3A_1 : i1 to i32
    %cond3A = arith.constant 0 : i32
    %cond3A_2 = arith.cmpi ne, %convert_element_type3A, %cond3A : i32
    scf.if %cond3A_2 {
      %mul3A_13 = arith.constant 64 : i32
      %mul3A_14 = arith.muli %add3A, %mul3A_13 : i32
      "tpu.region"() ({
        %run_scoped3A = tpu.sem_alloc : memref<!tpu.dma_semaphore, #tpu.memory_space<semaphore_mem>>
        %dma_start3A_15 = tpu.memref_slice %arg3[%mul3A_14] : memref<1024xi32, #tpu.memory_space<hbm>> -> memref<64xi32, #tpu.memory_space<hbm>>
        %dma_start3A_16 = tpu.memref_slice %arg3[%mul3A_14] : memref<1024xi32, #tpu.memory_space<hbm>> -> memref<64xi32, #tpu.memory_space<hbm>>
        tpu.enqueue_dma source(%dma_start3A_16 : memref<64xi32, #tpu.memory_space<hbm>>) target(%arg6 : memref<64xi32, #tpu.memory_space<vmem>>) target_semaphore(%run_scoped3A : memref<!tpu.dma_semaphore, #tpu.memory_space<semaphore_mem>>)
        %dma_wait3A_17 = tpu.memref_slice %arg3[%mul3A_14] : memref<1024xi32, #tpu.memory_space<hbm>> -> memref<64xi32, #tpu.memory_space<hbm>>
        %dma_wait3A_18 = tpu.memref_slice %arg3[%mul3A_14] : memref<1024xi32, #tpu.memory_space<hbm>> -> memref<64xi32, #tpu.memory_space<hbm>>
        tpu.wait_dma2 semaphore(%run_scoped3A : memref<!tpu.dma_semaphore, #tpu.memory_space<semaphore_mem>>) src(%dma_wait3A_18 : memref<64xi32, #tpu.memory_space<hbm>>) dst(%arg6 : memref<64xi32, #tpu.memory_space<vmem>>)
        tpu.yield
      }) : () -> ()
    } else {
    }
    %ge3A = arith.constant 16 : i32
    %ge3A_3 = arith.cmpi sge, %add3A, %ge3A : i32
    %convert_element_type3A_4 = arith.extui %ge3A_3 : i1 to i32
    %cond3A_5 = arith.constant 0 : i32
    %cond3A_6 = arith.cmpi ne, %convert_element_type3A_4, %cond3A_5 : i32
    scf.if %cond3A_6 {
      %sub3A = arith.constant 16 : i32
      %sub3A_13 = arith.subi %add3A, %sub3A : i32
      %mul3A_14 = arith.constant 64 : i32
      %mul3A_15 = arith.muli %sub3A_13, %mul3A_14 : i32
      "tpu.region"() ({
        %run_scoped3A = tpu.sem_alloc : memref<!tpu.dma_semaphore, #tpu.memory_space<semaphore_mem>>
        %dma_start3A_16 = tpu.memref_slice %arg4[%mul3A_15] : memref<1024xi32, #tpu.memory_space<hbm>> -> memref<64xi32, #tpu.memory_space<hbm>>
        %dma_start3A_17 = tpu.memref_slice %arg4[%mul3A_15] : memref<1024xi32, #tpu.memory_space<hbm>> -> memref<64xi32, #tpu.memory_space<hbm>>
        tpu.enqueue_dma source(%dma_start3A_17 : memref<64xi32, #tpu.memory_space<hbm>>) target(%arg6 : memref<64xi32, #tpu.memory_space<vmem>>) target_semaphore(%run_scoped3A : memref<!tpu.dma_semaphore, #tpu.memory_space<semaphore_mem>>)
        %dma_wait3A_18 = tpu.memref_slice %arg4[%mul3A_15] : memref<1024xi32, #tpu.memory_space<hbm>> -> memref<64xi32, #tpu.memory_space<hbm>>
        %dma_wait3A_19 = tpu.memref_slice %arg4[%mul3A_15] : memref<1024xi32, #tpu.memory_space<hbm>> -> memref<64xi32, #tpu.memory_space<hbm>>
        tpu.wait_dma2 semaphore(%run_scoped3A : memref<!tpu.dma_semaphore, #tpu.memory_space<semaphore_mem>>) src(%dma_wait3A_19 : memref<64xi32, #tpu.memory_space<hbm>>) dst(%arg6 : memref<64xi32, #tpu.memory_space<vmem>>)
        tpu.yield
      }) : () -> ()
    } else {
    }
    %dma_start3A = arith.constant 0 : i32
    %dma_start3A_7 = arith.constant 0 : i32
    %dma_start3A_8 = tpu.memref_slice %arg2[%dma_start3A, %dma_start3A_7] : memref<1000x128xf32, #tpu.memory_space<hbm>> -> memref<1000x128xf32, #tpu.memory_space<hbm>>
    tpu.enqueue_indirect_dma source(%dma_start3A_8 : memref<1000x128xf32, #tpu.memory_space<hbm>>) target(%arg7 : memref<64x128xf32, #tpu.memory_space<vmem>>) offsets(%arg6 : memref<64xi32, #tpu.memory_space<vmem>>) semaphore(%arg8 : memref<!tpu.dma_semaphore, #tpu.memory_space<semaphore_mem>>)
    %dma_wait3A = arith.constant 0 : i32
    %dma_wait3A_9 = arith.constant 0 : i32
    %dma_wait3A_10 = tpu.memref_slice %arg2[%dma_wait3A, %dma_wait3A_9] : memref<1000x128xf32, #tpu.memory_space<hbm>> -> memref<1000x128xf32, #tpu.memory_space<hbm>>
    tpu.wait_indirect_dma semaphore(%arg8 : memref<!tpu.dma_semaphore, #tpu.memory_space<semaphore_mem>>) src(%dma_wait3A_10 : memref<1000x128xf32, #tpu.memory_space<hbm>>) dst(%arg7 : memref<64x128xf32, #tpu.memory_space<vmem>>)
    %mul3A_11 = arith.constant 64 : i32
    %mul3A_12 = arith.muli %add3A, %mul3A_11 : i32
    "tpu.region"() ({
      %run_scoped3A = tpu.sem_alloc : memref<!tpu.dma_semaphore, #tpu.memory_space<semaphore_mem>>
      %dma_start3A_13 = arith.constant 0 : i32
      %dma_start3A_14 = tpu.memref_slice %arg5[%mul3A_12, %dma_start3A_13] : memref<2048x128xf32, #tpu.memory_space<hbm>> -> memref<64x128xf32, #tpu.memory_space<hbm>>
      %dma_start3A_15 = arith.constant 0 : i32
      %dma_start3A_16 = tpu.memref_slice %arg5[%mul3A_12, %dma_start3A_15] : memref<2048x128xf32, #tpu.memory_space<hbm>> -> memref<64x128xf32, #tpu.memory_space<hbm>>
      tpu.enqueue_dma source(%arg7 : memref<64x128xf32, #tpu.memory_space<vmem>>) target(%dma_start3A_16 : memref<64x128xf32, #tpu.memory_space<hbm>>) target_semaphore(%run_scoped3A : memref<!tpu.dma_semaphore, #tpu.memory_space<semaphore_mem>>)
      %dma_wait3A_17 = arith.constant 0 : i32
      %dma_wait3A_18 = tpu.memref_slice %arg5[%mul3A_12, %dma_wait3A_17] : memref<2048x128xf32, #tpu.memory_space<hbm>> -> memref<64x128xf32, #tpu.memory_space<hbm>>
      %dma_wait3A_19 = arith.constant 0 : i32
      %dma_wait3A_20 = tpu.memref_slice %arg5[%mul3A_12, %dma_wait3A_19] : memref<2048x128xf32, #tpu.memory_space<hbm>> -> memref<64x128xf32, #tpu.memory_space<hbm>>
      tpu.wait_dma2 semaphore(%run_scoped3A : memref<!tpu.dma_semaphore, #tpu.memory_space<semaphore_mem>>) src(%arg7 : memref<64x128xf32, #tpu.memory_space<vmem>>) dst(%dma_wait3A_20 : memref<64x128xf32, #tpu.memory_space<hbm>>)
      tpu.yield
    }) : () -> ()
    return
  }
}

module attributes {stable_mosaic.version = 14 : i64} {
  func.func @_prep_body(%arg0: memref<1000x128xf32, #tpu.memory_space<vmem>>, %arg1: memref<4x32xf32, #tpu.memory_space<vmem>>, %arg2: memref<1xi32, #tpu.memory_space<smem>>, %arg3: memref<1x1000xf32, #tpu.memory_space<vmem>>, %arg4: memref<4x1000xf32, #tpu.memory_space<vmem>>, %arg5: memref<1x1000xf32, #tpu.memory_space<vmem>>, %arg6: memref<1x32xf32, #tpu.memory_space<vmem>>, %arg7: memref<1x1xf32, #tpu.memory_space<vmem>>) attributes {dimension_semantics = [], scalar_prefetch = 0 : i64, scratch_operands = 0 : i64, tpu.core_type = #tpu.core_type<tc>} {
    %get3A = arith.constant 0 : index
    %get3A_0 = arith.constant 0 : index
    %get3A_1 = vector.load %arg1[%get3A, %get3A_0] : memref<4x32xf32, #tpu.memory_space<vmem>>, vector<4x32xf32>
    %get3A_2 = arith.constant 0 : index
    %get3A_3 = arith.constant 0 : index
    %get3A_4 = vector.load %arg0[%get3A_2, %get3A_3] : memref<1000x128xf32, #tpu.memory_space<vmem>>, vector<1000x32xf32>
    %broadcast_in_dim3A = arith.constant 1.000000e+00 : f32
    %broadcast_in_dim3A_5 = vector.broadcast %broadcast_in_dim3A : f32 to vector<1x32xf32>
    %mul3A = arith.mulf %get3A_4, %get3A_4 : vector<1000x32xf32>
    %dot_general3A = arith.constant dense<0.000000e+00> : vector<1x1000xf32>
    %dot_general3A_6 = tpu.matmul %broadcast_in_dim3A_5, %mul3A, %dot_general3A {dimension_numbers = #tpu.dot_dimension_numbers<[1], [1], [0], [0], [0, 0, 1, 0], [], []>, transpose_lhs_hint = false} : vector<1x32xf32>, vector<1000x32xf32>, vector<1x1000xf32> -> vector<1x1000xf32>
    %swap3A = arith.constant 0 : index
    %swap3A_7 = arith.constant 0 : index
    %swap3A_8 = vector.load %arg3[%swap3A, %swap3A_7] : memref<1x1000xf32, #tpu.memory_space<vmem>>, vector<1x1000xf32>
    tpu.vector_store %arg3[%swap3A, %swap3A_7], %dot_general3A_6 {strides = array<i32>} : memref<1x1000xf32, #tpu.memory_space<vmem>>, vector<1x1000xf32>,
    %mul3A_9 = arith.constant -2.000000e+00 : f32
    %mul3A_10 = vector.broadcast %mul3A_9 : f32 to vector<4x32xf32>
    %mul3A_11 = arith.mulf %mul3A_10, %get3A_1 : vector<4x32xf32>
    %dot_general3A_12 = arith.constant dense<0.000000e+00> : vector<4x1000xf32>
    %dot_general3A_13 = tpu.matmul %mul3A_11, %get3A_4, %dot_general3A_12 {dimension_numbers = #tpu.dot_dimension_numbers<[1], [1], [0], [0], [0, 0, 1, 0], [], []>, transpose_lhs_hint = false} : vector<4x32xf32>, vector<1000x32xf32>, vector<4x1000xf32> -> vector<4x1000xf32>
    %swap3A_14 = arith.constant 0 : index
    %swap3A_15 = arith.constant 0 : index
    %swap3A_16 = vector.load %arg4[%swap3A_14, %swap3A_15] : memref<4x1000xf32, #tpu.memory_space<vmem>>, vector<4x1000xf32>
    tpu.vector_store %arg4[%swap3A_14, %swap3A_15], %dot_general3A_13 {strides = array<i32>} : memref<4x1000xf32, #tpu.memory_space<vmem>>, vector<4x1000xf32>,
    %get3A_17 = arith.constant 0 : index
    %get3A_18 = memref.load %arg2[%get3A_17] : memref<1xi32, #tpu.memory_space<smem>>
    %get3A_19 = arith.index_cast %get3A_18 : i32 to index
    %get3A_20 = arith.constant 0 : index
    %get3A_21 = vector.load %arg1[%get3A_19, %get3A_20] : memref<4x32xf32, #tpu.memory_space<vmem>>, vector<1x32xf32>
    %swap3A_22 = arith.constant 0 : index
    %swap3A_23 = arith.constant 0 : index
    %swap3A_24 = vector.load %arg6[%swap3A_22, %swap3A_23] : memref<1x32xf32, #tpu.memory_space<vmem>>, vector<1x32xf32>
    tpu.vector_store %arg6[%swap3A_22, %swap3A_23], %get3A_21 {strides = array<i32>} : memref<1x32xf32, #tpu.memory_space<vmem>>, vector<1x32xf32>,
    %mul3A_25 = arith.constant 2.000000e+00 : f32
    %mul3A_26 = vector.broadcast %mul3A_25 : f32 to vector<1x32xf32>
    %mul3A_27 = arith.mulf %mul3A_26, %get3A_21 : vector<1x32xf32>
    %dot_general3A_28 = arith.constant dense<0.000000e+00> : vector<1x1000xf32>
    %dot_general3A_29 = tpu.matmul %mul3A_27, %get3A_4, %dot_general3A_28 {dimension_numbers = #tpu.dot_dimension_numbers<[1], [1], [0], [0], [0, 0, 1, 0], [], []>, transpose_lhs_hint = false} : vector<1x32xf32>, vector<1000x32xf32>, vector<1x1000xf32> -> vector<1x1000xf32>
    %swap3A_30 = arith.constant 0 : index
    %swap3A_31 = arith.constant 0 : index
    %swap3A_32 = vector.load %arg5[%swap3A_30, %swap3A_31] : memref<1x1000xf32, #tpu.memory_space<vmem>>, vector<1x1000xf32>
    tpu.vector_store %arg5[%swap3A_30, %swap3A_31], %dot_general3A_29 {strides = array<i32>} : memref<1x1000xf32, #tpu.memory_space<vmem>>, vector<1x1000xf32>,
    %mul3A_33 = arith.mulf %get3A_21, %get3A_21 : vector<1x32xf32>
    %reduce_sum3A = vector.shape_cast %mul3A_33 : vector<1x32xf32> to vector<1x1x32xf32>
    %reduce_sum3A_34 = arith.constant dense<0.000000e+00> : vector<1xf32>
    %reduce_sum3A_35 = vector.multi_reduction <add>, %reduce_sum3A, %reduce_sum3A_34 [1, 2] : vector<1x1x32xf32> to vector<1xf32>
    %reduce_sum3A_36 = vector.shape_cast %reduce_sum3A_35 : vector<1xf32> to vector<1x1x1xf32>
    %reduce_sum3A_37 = vector.extract %reduce_sum3A_36[0, 0, 0] : f32 from vector<1x1x1xf32>
    %broadcast_in_dim3A_38 = vector.broadcast %reduce_sum3A_37 : f32 to vector<1x1xf32>
    %swap3A_39 = arith.constant 0 : index
    %swap3A_40 = arith.constant 0 : index
    %swap3A_41 = vector.load %arg7[%swap3A_39, %swap3A_40] : memref<1x1xf32, #tpu.memory_space<vmem>>, vector<1x1xf32>
    tpu.vector_store %arg7[%swap3A_39, %swap3A_40], %broadcast_in_dim3A_38 {strides = array<i32>} : memref<1x1xf32, #tpu.memory_space<vmem>>, vector<1x1xf32>,
    return
  }
}

module attributes {stable_mosaic.version = 14 : i64} {
  func.func @_score_body(%arg0: memref<1000x128xf32, #tpu.memory_space<vmem>>, %arg1: memref<4x32xf32, #tpu.memory_space<vmem>>, %arg2: memref<1xi32, #tpu.memory_space<smem>>, %arg3: memref<2048x128xf32, #tpu.memory_space<vmem>>, %arg4: memref<1x1000xf32, #tpu.memory_space<vmem>>, %arg5: memref<4x1000xf32, #tpu.memory_space<vmem>>, %arg6: memref<1x1000xf32, #tpu.memory_space<vmem>>, %arg7: memref<1x32xf32, #tpu.memory_space<vmem>>, %arg8: memref<1x1xf32, #tpu.memory_space<vmem>>, %arg9: memref<1x1024xf32, #tpu.memory_space<vmem>>) attributes {dimension_semantics = [], scalar_prefetch = 0 : i64, scratch_operands = 0 : i64, tpu.core_type = #tpu.core_type<tc>} {
    %get3A = arith.constant 0 : index
    %get3A_0 = arith.constant 0 : index
    %get3A_1 = vector.load %arg1[%get3A, %get3A_0] : memref<4x32xf32, #tpu.memory_space<vmem>>, vector<4x32xf32>
    %get3A_2 = arith.constant 0 : index
    %get3A_3 = arith.constant 0 : index
    %get3A_4 = vector.load %arg0[%get3A_2, %get3A_3] : memref<1000x128xf32, #tpu.memory_space<vmem>>, vector<1000x32xf32>
    %get3A_5 = arith.constant 0 : index
    %get3A_6 = arith.constant 0 : index
    %get3A_7 = vector.load %arg3[%get3A_5, %get3A_6] : memref<2048x128xf32, #tpu.memory_space<vmem>>, vector<1024x32xf32>
    %get3A_8 = arith.constant 1024 : index
    %get3A_9 = arith.constant 0 : index
    %get3A_10 = vector.load %arg3[%get3A_8, %get3A_9] : memref<2048x128xf32, #tpu.memory_space<vmem>>, vector<1024x32xf32>
    %get3A_11 = arith.constant 0 : index
    %get3A_12 = arith.constant 0 : index
    %get3A_13 = vector.load %arg4[%get3A_11, %get3A_12] : memref<1x1000xf32, #tpu.memory_space<vmem>>, vector<1x1000xf32>
    %get3A_14 = arith.constant 0 : index
    %get3A_15 = arith.constant 0 : index
    %get3A_16 = vector.load %arg5[%get3A_14, %get3A_15] : memref<4x1000xf32, #tpu.memory_space<vmem>>, vector<4x1000xf32>
    %get3A_17 = arith.constant 0 : index
    %get3A_18 = arith.constant 0 : index
    %get3A_19 = vector.load %arg6[%get3A_17, %get3A_18] : memref<1x1000xf32, #tpu.memory_space<vmem>>, vector<1x1000xf32>
    %get3A_20 = arith.constant 0 : index
    %get3A_21 = arith.constant 0 : index
    %get3A_22 = vector.load %arg7[%get3A_20, %get3A_21] : memref<1x32xf32, #tpu.memory_space<vmem>>, vector<1x32xf32>
    %get3A_23 = arith.constant 0 : index
    %get3A_24 = arith.constant 0 : index
    %get3A_25 = vector.load %arg8[%get3A_23, %get3A_24] : memref<1x1xf32, #tpu.memory_space<vmem>>, vector<1x1xf32>
    %get3A_26 = vector.extract %get3A_25[0, 0] : f32 from vector<1x1xf32>
    %mul3A = arith.constant -2.000000e+00 : f32
    %mul3A_27 = vector.broadcast %mul3A : f32 to vector<1024x32xf32>
    %mul3A_28 = arith.mulf %mul3A_27, %get3A_7 : vector<1024x32xf32>
    %mul3A_29 = arith.constant -2.000000e+00 : f32
    %mul3A_30 = vector.broadcast %mul3A_29 : f32 to vector<1024x32xf32>
    %mul3A_31 = arith.mulf %mul3A_30, %get3A_10 : vector<1024x32xf32>
    %dot_general3A = arith.constant dense<0.000000e+00> : vector<1024x1000xf32>
    %dot_general3A_32 = tpu.matmul %mul3A_28, %get3A_4, %dot_general3A {dimension_numbers = #tpu.dot_dimension_numbers<[1], [1], [0], [0], [0, 0, 1, 0], [], []>, transpose_lhs_hint = false} : vector<1024x32xf32>, vector<1000x32xf32>, vector<1024x1000xf32> -> vector<1024x1000xf32>
    %dot_general3A_33 = arith.constant dense<0.000000e+00> : vector<1024x1000xf32>
    %dot_general3A_34 = tpu.matmul %mul3A_31, %get3A_4, %dot_general3A_33 {dimension_numbers = #tpu.dot_dimension_numbers<[1], [1], [0], [0], [0, 0, 1, 0], [], []>, transpose_lhs_hint = false} : vector<1024x32xf32>, vector<1000x32xf32>, vector<1024x1000xf32> -> vector<1024x1000xf32>
    %broadcast_in_dim3A = arith.constant 1.000000e+00 : f32
    %broadcast_in_dim3A_35 = vector.broadcast %broadcast_in_dim3A : f32 to vector<1x32xf32>
    %mul3A_36 = arith.mulf %get3A_7, %get3A_7 : vector<1024x32xf32>
    %reduce_sum3A = arith.constant dense<0.000000e+00> : vector<1024xf32>
    %reduce_sum3A_37 = vector.multi_reduction <add>, %mul3A_36, %reduce_sum3A [1] : vector<1024x32xf32> to vector<1024xf32>
    %broadcast_in_dim3A_38 = vector.shape_cast %reduce_sum3A_37 : vector<1024xf32> to vector<1024x1xf32>
    %mul3A_39 = arith.mulf %get3A_10, %get3A_10 : vector<1024x32xf32>
    %reduce_sum3A_40 = arith.constant dense<0.000000e+00> : vector<1024xf32>
    %reduce_sum3A_41 = vector.multi_reduction <add>, %mul3A_39, %reduce_sum3A_40 [1] : vector<1024x32xf32> to vector<1024xf32>
    %broadcast_in_dim3A_42 = vector.shape_cast %reduce_sum3A_41 : vector<1024xf32> to vector<1024x1xf32>
    %mul3A_43 = arith.constant 2.000000e+00 : f32
    %mul3A_44 = vector.broadcast %mul3A_43 : f32 to vector<4x32xf32>
    %mul3A_45 = arith.mulf %mul3A_44, %get3A_1 : vector<4x32xf32>
    %dot_general3A_46 = arith.constant dense<0.000000e+00> : vector<1024x4xf32>
    %dot_general3A_47 = tpu.matmul %get3A_7, %mul3A_45, %dot_general3A_46 {dimension_numbers = #tpu.dot_dimension_numbers<[1], [1], [0], [0], [0, 0, 1, 0], [], []>, transpose_lhs_hint = false} : vector<1024x32xf32>, vector<4x32xf32>, vector<1024x4xf32> -> vector<1024x4xf32>
    %mul3A_48 = arith.mulf %get3A_1, %get3A_1 : vector<4x32xf32>
    %dot_general3A_49 = arith.constant dense<0.000000e+00> : vector<1x4xf32>
    %dot_general3A_50 = tpu.matmul %broadcast_in_dim3A_35, %mul3A_48, %dot_general3A_49 {dimension_numbers = #tpu.dot_dimension_numbers<[1], [1], [0], [0], [0, 0, 1, 0], [], []>, transpose_lhs_hint = false} : vector<1x32xf32>, vector<4x32xf32>, vector<1x4xf32> -> vector<1x4xf32>
    %add3A = vector.broadcast %dot_general3A_50 : vector<1x4xf32> to vector<1024x4xf32>
    %add3A_51 = arith.addf %dot_general3A_47, %add3A : vector<1024x4xf32>
    %dot_general3A_52 = arith.constant dense<0.000000e+00> : vector<1024x1xf32>
    %dot_general3A_53 = tpu.matmul %mul3A_31, %get3A_22, %dot_general3A_52 {dimension_numbers = #tpu.dot_dimension_numbers<[1], [1], [0], [0], [0, 0, 1, 0], [], []>, transpose_lhs_hint = false} : vector<1024x32xf32>, vector<1x32xf32>, vector<1024x1xf32> -> vector<1024x1xf32>
    %add3A_54 = vector.broadcast %broadcast_in_dim3A_38 : vector<1024x1xf32> to vector<1024x1000xf32>
    %add3A_55 = arith.addf %dot_general3A_32, %add3A_54 : vector<1024x1000xf32>
    %add3A_56 = vector.broadcast %get3A_13 : vector<1x1000xf32> to vector<1024x1000xf32>
    %add3A_57 = arith.addf %add3A_55, %add3A_56 : vector<1024x1000xf32>
    %add3A_58 = arith.addf %get3A_13, %get3A_19 : vector<1x1000xf32>
    %add3A_59 = vector.broadcast %add3A_58 : vector<1x1000xf32> to vector<1024x1000xf32>
    %add3A_60 = arith.addf %dot_general3A_34, %add3A_59 : vector<1024x1000xf32>
    %add3A_61 = arith.addf %broadcast_in_dim3A_42, %dot_general3A_53 : vector<1024x1xf32>
    %add3A_62 = vector.broadcast %get3A_26 : f32 to vector<1024x1xf32>
    %add3A_63 = arith.addf %add3A_61, %add3A_62 : vector<1024x1xf32>
    %add3A_64 = vector.broadcast %add3A_63 : vector<1024x1xf32> to vector<1024x1000xf32>
    %add3A_65 = arith.addf %add3A_60, %add3A_64 : vector<1024x1000xf32>
    %broadcast_in_dim3A_66 = arith.constant 0.000000e+00 : f32
    %broadcast_in_dim3A_67 = vector.broadcast %broadcast_in_dim3A_66 : f32 to vector<1024x1000xf32>
    %slice3A = vector.extract_strided_slice %add3A_51 {offsets = [0, 0], sizes = [1024, 1], strides = [1, 1]} : vector<1024x4xf32> to vector<1024x1xf32>
    %add3A_68 = vector.broadcast %slice3A : vector<1024x1xf32> to vector<1024x1000xf32>
    %add3A_69 = arith.addf %add3A_57, %add3A_68 : vector<1024x1000xf32>
    %slice3A_70 = vector.extract_strided_slice %get3A_16 {offsets = [0, 0], sizes = [1, 1000], strides = [1, 1]} : vector<4x1000xf32> to vector<1x1000xf32>
    %add3A_71 = vector.broadcast %slice3A_70 : vector<1x1000xf32> to vector<1024x1000xf32>
    %add3A_72 = arith.addf %add3A_69, %add3A_71 : vector<1024x1000xf32>
    %mul3A_73 = arith.mulf %add3A_72, %add3A_65 : vector<1024x1000xf32>
    %max3A = arith.constant 1.000000e-35 : f32
    %max3A_74 = vector.broadcast %max3A : f32 to vector<1024x1000xf32>
    %max3A_75 = arith.maximumf %mul3A_73, %max3A_74 : vector<1024x1000xf32>
    %rsqrt3A = math.rsqrt %max3A_75 : vector<1024x1000xf32>
    %mul3A_76 = arith.mulf %max3A_75, %rsqrt3A : vector<1024x1000xf32>
    %add3A_77 = arith.addf %broadcast_in_dim3A_67, %mul3A_76 : vector<1024x1000xf32>
    %slice3A_78 = vector.extract_strided_slice %add3A_51 {offsets = [0, 1], sizes = [1024, 1], strides = [1, 1]} : vector<1024x4xf32> to vector<1024x1xf32>
    %add3A_79 = vector.broadcast %slice3A_78 : vector<1024x1xf32> to vector<1024x1000xf32>
    %add3A_80 = arith.addf %add3A_57, %add3A_79 : vector<1024x1000xf32>
    %slice3A_81 = vector.extract_strided_slice %get3A_16 {offsets = [1, 0], sizes = [1, 1000], strides = [1, 1]} : vector<4x1000xf32> to vector<1x1000xf32>
    %add3A_82 = vector.broadcast %slice3A_81 : vector<1x1000xf32> to vector<1024x1000xf32>
    %add3A_83 = arith.addf %add3A_80, %add3A_82 : vector<1024x1000xf32>
    %mul3A_84 = arith.mulf %add3A_83, %add3A_65 : vector<1024x1000xf32>
    %max3A_85 = arith.constant 1.000000e-35 : f32
    %max3A_86 = vector.broadcast %max3A_85 : f32 to vector<1024x1000xf32>
    %max3A_87 = arith.maximumf %mul3A_84, %max3A_86 : vector<1024x1000xf32>
    %rsqrt3A_88 = math.rsqrt %max3A_87 : vector<1024x1000xf32>
    %mul3A_89 = arith.mulf %max3A_87, %rsqrt3A_88 : vector<1024x1000xf32>
    %add3A_90 = arith.addf %add3A_77, %mul3A_89 : vector<1024x1000xf32>
    %slice3A_91 = vector.extract_strided_slice %add3A_51 {offsets = [0, 2], sizes = [1024, 1], strides = [1, 1]} : vector<1024x4xf32> to vector<1024x1xf32>
    %add3A_92 = vector.broadcast %slice3A_91 : vector<1024x1xf32> to vector<1024x1000xf32>
    %add3A_93 = arith.addf %add3A_57, %add3A_92 : vector<1024x1000xf32>
    %slice3A_94 = vector.extract_strided_slice %get3A_16 {offsets = [2, 0], sizes = [1, 1000], strides = [1, 1]} : vector<4x1000xf32> to vector<1x1000xf32>
    %add3A_95 = vector.broadcast %slice3A_94 : vector<1x1000xf32> to vector<1024x1000xf32>
    %add3A_96 = arith.addf %add3A_93, %add3A_95 : vector<1024x1000xf32>
    %mul3A_97 = arith.mulf %add3A_96, %add3A_65 : vector<1024x1000xf32>
    %max3A_98 = arith.constant 1.000000e-35 : f32
    %max3A_99 = vector.broadcast %max3A_98 : f32 to vector<1024x1000xf32>
    %max3A_100 = arith.maximumf %mul3A_97, %max3A_99 : vector<1024x1000xf32>
    %rsqrt3A_101 = math.rsqrt %max3A_100 : vector<1024x1000xf32>
    %mul3A_102 = arith.mulf %max3A_100, %rsqrt3A_101 : vector<1024x1000xf32>
    %add3A_103 = arith.addf %add3A_90, %mul3A_102 : vector<1024x1000xf32>
    %slice3A_104 = vector.extract_strided_slice %add3A_51 {offsets = [0, 3], sizes = [1024, 1], strides = [1, 1]} : vector<1024x4xf32> to vector<1024x1xf32>
    %add3A_105 = vector.broadcast %slice3A_104 : vector<1024x1xf32> to vector<1024x1000xf32>
    %add3A_106 = arith.addf %add3A_57, %add3A_105 : vector<1024x1000xf32>
    %slice3A_107 = vector.extract_strided_slice %get3A_16 {offsets = [3, 0], sizes = [1, 1000], strides = [1, 1]} : vector<4x1000xf32> to vector<1x1000xf32>
    %add3A_108 = vector.broadcast %slice3A_107 : vector<1x1000xf32> to vector<1024x1000xf32>
    %add3A_109 = arith.addf %add3A_106, %add3A_108 : vector<1024x1000xf32>
    %mul3A_110 = arith.mulf %add3A_109, %add3A_65 : vector<1024x1000xf32>
    %max3A_111 = arith.constant 1.000000e-35 : f32
    %max3A_112 = vector.broadcast %max3A_111 : f32 to vector<1024x1000xf32>
    %max3A_113 = arith.maximumf %mul3A_110, %max3A_112 : vector<1024x1000xf32>
    %rsqrt3A_114 = math.rsqrt %max3A_113 : vector<1024x1000xf32>
    %mul3A_115 = arith.mulf %max3A_113, %rsqrt3A_114 : vector<1024x1000xf32>
    %add3A_116 = arith.addf %add3A_103, %mul3A_115 : vector<1024x1000xf32>
    %broadcast_in_dim3A_117 = arith.constant 1.000000e-03 : f32
    %broadcast_in_dim3A_118 = vector.broadcast %broadcast_in_dim3A_117 : f32 to vector<1x1000xf32>
    %dot_general3A_119 = arith.constant dense<0.000000e+00> : vector<1x1024xf32>
    %dot_general3A_120 = tpu.matmul %broadcast_in_dim3A_118, %add3A_116, %dot_general3A_119 {dimension_numbers = #tpu.dot_dimension_numbers<[1], [1], [0], [0], [0, 0, 1, 0], [], []>, transpose_lhs_hint = false} : vector<1x1000xf32>, vector<1024x1000xf32>, vector<1x1024xf32> -> vector<1x1024xf32>
    %add3A_121 = vector.broadcast %get3A_22 : vector<1x32xf32> to vector<1024x32xf32>
    %add3A_122 = arith.addf %get3A_7, %add3A_121 : vector<1024x32xf32>
    %sub3A = arith.subf %add3A_122, %get3A_10 : vector<1024x32xf32>
    %mul3A_123 = arith.mulf %sub3A, %sub3A : vector<1024x32xf32>
    %dot_general3A_124 = arith.constant dense<0.000000e+00> : vector<1x1024xf32>
    %dot_general3A_125 = tpu.matmul %broadcast_in_dim3A_35, %mul3A_123, %dot_general3A_124 {dimension_numbers = #tpu.dot_dimension_numbers<[1], [1], [0], [0], [0, 0, 1, 0], [], []>, transpose_lhs_hint = false} : vector<1x32xf32>, vector<1024x32xf32>, vector<1x1024xf32> -> vector<1x1024xf32>
    %sqrt3A = math.sqrt %dot_general3A_125 : vector<1x1024xf32>
    %neg3A = arith.constant 0.000000e+00 : f32
    %neg3A_126 = vector.broadcast %neg3A : f32 to vector<1x1024xf32>
    %neg3A_127 = arith.subf %neg3A_126, %sqrt3A : vector<1x1024xf32>
    %get3A_128 = arith.constant 0 : index
    %get3A_129 = memref.load %arg2[%get3A_128] : memref<1xi32, #tpu.memory_space<smem>>
    %eq3A = arith.constant 0 : i32
    %eq3A_130 = arith.cmpi eq, %get3A_129, %eq3A : i32
    %select_n3A = arith.select %eq3A_130, %neg3A_127, %dot_general3A_120 : vector<1x1024xf32>
    %swap3A = arith.constant 0 : index
    %swap3A_131 = arith.constant 0 : index
    %swap3A_132 = vector.load %arg9[%swap3A, %swap3A_131] : memref<1x1024xf32, #tpu.memory_space<vmem>>, vector<1x1024xf32>
    tpu.vector_store %arg9[%swap3A, %swap3A_131], %select_n3A {strides = array<i32>} : memref<1x1024xf32, #tpu.memory_space<vmem>>, vector<1x1024xf32>,
    return
  }
}

</mosaic_0001>

<sc_bundles>
// kernel: kernel.5.cloned.1.call-start
scs
__scs_entry_jumppad:
0x0: {  	(pc) =	sbr.rel $0x88, $3  }
0x1: {  	(tag) =	ssettag $0x0;
	lr =	simm.s32 $0x1  }
0x2: {  	[smem:$0x3F9B] =	sst lr;
	_ =	strace $0xD0000000  }
0x3: {  	_ = 	snop  }
0x4: {  	_ = 	snop  }
0x5: {  	_ = 	snop  }
0x6: {  	_ = 	snop  }
0x7: {  	_ = 	snop  }
__scs_overlays_trampoline_lowered:
0x8: {  	[smem:$0x3FAA] =	sst s0  }
0x9: {  	[smem:$0x3FAB] =	sst s1  }
0xa: {  	[smem:$0x3FAC] =	sst s2  }
0xb: {  	[smem:$0x3FAD] =	sst s3  }
0xc: {  	[smem:$0x3FAE] =	sst s4  }
0xd: {  	[smem:$0x3FAF] =	sst s5  }
0xe: {  	[smem:$0x3FB0] =	sst s6  }
0xf: {  	[smem:$0x3FB1] =	sst s7  }
0x10: {  	[smem:$0x3FB2] =	sst s8  }
0x11: {  	[smem:$0x3FB3] =	sst s9;
	s0 =	simm.s32 @!p0 $0x0  }
0x12: {  	s1 =	sld [smem:$0x3F99];
	s0 =	simm.s32 @p0 $0x1  }
0x13: {  	[smem:$0x3FB4] =	sst s0;
	s0 =	simm.s32 @!p1 $0x0  }
0x14: {  	s2 =	sld [smem:$0x3F98];
	s0 =	simm.s32 @p1 $0x1  }
0x15: {  	[smem:$0x3FB5] =	sst s0;
	s0 =	simm.s32 @!p2 $0x0  }
0x16: {  	s3 =	sld [smem:$0x3FDB];
	s0 =	simm.s32 @p2 $0x1  }
0x17: {  	s4 =	simm.s32 $0x1BF5;
	[smem:$0x3FB7] =	sst s0  }
0x18: {  	s0 =	sld [smem:$0x3F9A];
	_ =	swait.ge [sflag:s4], $0x0  }
0x19: {  	s7 =	sld [smem:$0x3F9B]  }
0x1a: {  	s8 =	sadd.s32 $0xFFFFE003, lr  }
0x1b: {  	s9 =	sadd.s32 $0xFFFFFEF7, lr;
	s5 =	simm.s32 $0xFFFFFFFF;
	p2 =	slt.u32 s8, $0xFFFFF086  }
0x1c: {  	p1 =	slt.u32 s9, $0xF7A;
	s5 =	simm.s32 @!p2 $0x0  }
0x1d: {  	s5 =	simm.s32 @p1 $0x1;
	p0 =	seq.s32 s7, s2  }
0x1e: {  	s7 =	smul.u32 @!p0 $0xF7A, s2;
	p2 =	seq.s32 @!p0 s5, $0x0  }
0x1f: {  	s9 =	smul.u32 $0xF7A, s1;
	s8 =	simm.s32 @!p0 $0x1BF5;
	p2 =	por !p2, p0  }
0x20: {  	[sflag:s8] =	ssyncset.s32 @!p0 $0xFFFFF086;
	s6 =	sadd.s32 @!p0 s3, s7;
	s7 =	simm.s32 @!p0 $0x108  }
0x21: {  	s3 =	sadd.s32 s3, s9;
	s6 =	sadd.s32 @!p0 $0x88, s6;
	s7 =	simm.s32 @p2 $0x1082  }
0x22: {  	[simem:s7], [sflag:s8] =	dma.local @!p0 [hbm:s6], $0xF7A  }
0x23: {  	s9 =	sor.u32 $0xD0000000, s2;
	s6 =	simm.s32 $0x108;
	_ =	swait.ge @!p0 [sflag:s8], $0x0  }
0x24: {  	s3 =	sadd.s32 $0x88, s3;
	s6 =	simm.s32 @!p1 $0x1082;
	[sflag:s4] =	ssyncset.s32 $0xFFFFF086  }
0x25: {  	[simem:s6], [sflag:s4] =	dma.local [hbm:s3], $0xF7A  }
0x26: {  	[smem:$0x3F9B] =	sst s1;
	(tag) =	ssettag s2;
	_ =	strace s9  }
0x27: {  	s1 =	sld [smem:$0x3FAB]  }
0x28: {  	s2 =	sld [smem:$0x3FAC]  }
0x29: {  	s4 =	sld [smem:$0x3FAE]  }
0x2a: {  	p0 =	seq.s32 s5, $0x0;
	s5 =	sld [smem:$0x3FAF]  }
0x2b: {  	s6 =	sld [smem:$0x3FB0]  }
0x2c: {  	s7 =	sld [smem:$0x3FB1]  }
0x2d: {  	s3 =	simm.s32 $0x108;
	s8 =	sld [smem:$0x3FB2]  }
0x2e: {  	s3 =	simm.s32 @!p0 $0x1082;
	s9 =	sld [smem:$0x3FB3]  }
0x2f: {  	lr =	sadd.s32 s0, s3;
	s0 =	sld [smem:$0x3FAA]  }
0x30: {  	s3 =	sld [smem:$0x3FAD]  }
0x31: {  	[smem:$0x3FB6] =	sst s10  }
0x32: {  	s10 =	sld [smem:$0x3FB4];
	_ =	sdelay $0x3  }
0x33: {  	p0 =	seq.s32 s10, $0x1;
	s10 =	sld [smem:$0x3FB6];
	_ =	sdelay $0x3  }
0x34: {  	[smem:$0x3FB6] =	sst s10  }
0x35: {  	s10 =	sld [smem:$0x3FB5];
	_ =	sdelay $0x3  }
0x36: {  	p1 =	seq.s32 s10, $0x1;
	s10 =	sld [smem:$0x3FB6];
	_ =	sdelay $0x3  }
0x37: {  	[smem:$0x3FB6] =	sst s10  }
0x38: {  	s10 =	sld [smem:$0x3FB7]  }
0x39: {  	_ = 	snop;
	(pc) =	sbr.ind lr, $3  }
0x3a: {  	_ = 	snop  }
0x3b: {  	_ = 	snop  }
0x3c: {  	p2 =	seq.s32 s10, $0x1;
	s10 =	sld [smem:$0x3FB6]  }
0x3d: {  	_ =	shalt  }
0x3e: {  	_ =	shalt  }
0x3f: {  	_ =	shalt  }
0x40: {  	_ =	shalt  }
0x41: {  	_ =	shalt  }
0x42: {  	_ =	shalt  }
0x43: {  	_ =	shalt  }
0x44: {  	_ =	shalt  }
0x45: {  	_ =	shalt  }
0x46: {  	_ =	shalt  }
0x47: {  	_ =	shalt  }
0x48: {  	_ =	shalt  }
0x49: {  	_ =	shalt  }
0x4a: {  	_ =	shalt  }
0x4b: {  	_ =	shalt  }
0x4c: {  	_ =	shalt  }
0x4d: {  	_ =	shalt  }
0x4e: {  	_ =	shalt  }
0x4f: {  	_ =	shalt  }
0x50: {  	_ =	shalt  }
0x51: {  	_ =	shalt  }
0x52: {  	_ =	shalt  }
0x53: {  	_ =	shalt  }
0x54: {  	_ =	shalt  }
0x55: {  	_ =	shalt  }
0x56: {  	_ =	shalt  }
0x57: {  	_ =	shalt  }
0x58: {  	_ =	shalt  }
0x59: {  	_ =	shalt  }
0x5a: {  	_ =	shalt  }
0x5b: {  	_ =	shalt  }
0x5c: {  	_ =	shalt  }
0x5d: {  	_ =	shalt  }
0x5e: {  	_ =	shalt  }
0x5f: {  	_ =	shalt  }
0x60: {  	_ =	shalt  }
0x61: {  	_ =	shalt  }
0x62: {  	_ =	shalt  }
0x63: {  	_ =	shalt  }
0x64: {  	_ =	shalt  }
0x65: {  	_ =	shalt  }
0x66: {  	_ =	shalt  }
0x67: {  	_ =	shalt  }
0x68: {  	_ =	shalt  }
0x69: {  	_ =	shalt  }
0x6a: {  	_ =	shalt  }
0x6b: {  	_ =	shalt  }
0x6c: {  	_ =	shalt  }
0x6d: {  	_ =	shalt  }
0x6e: {  	_ =	shalt  }
0x6f: {  	_ =	shalt  }
0x70: {  	_ =	shalt  }
0x71: {  	_ =	shalt  }
0x72: {  	_ =	shalt  }
0x73: {  	_ =	shalt  }
0x74: {  	_ =	shalt  }
0x75: {  	_ =	shalt  }
0x76: {  	_ =	shalt  }
0x77: {  	_ =	shalt  }
0x78: {  	_ =	shalt  }
0x79: {  	_ =	shalt  }
0x7a: {  	_ =	shalt  }
0x7b: {  	_ =	shalt  }
0x7c: {  	_ =	shalt  }
0x7d: {  	_ =	shalt  }
0x7e: {  	_ =	shalt  }
0x7f: {  	_ =	shalt  }
0x80: {  	_ =	shalt  }
0x81: {  	_ =	shalt  }
0x82: {  	_ =	shalt  }
0x83: {  	_ =	shalt  }
0x84: {  	_ =	shalt  }
0x85: {  	_ =	shalt  }
0x86: {  	_ =	shalt  }
0x87: {  	_ =	shalt  }
.Lfunc_end0:
.L_simem_size_0:
called_computation_lowered:
.L_overlay_start_0:
0x88: {  	s2 =	sld [smem:$0x3FD9]  }
0x89: {  	s3 =	sld [smem:$0x3FFE];
	_ =	sdelay $0x1  }
0x8a: {  	s1 =	srdreg.scid  }
0x8b: {  	s0 =	sand.u32 $0x1, s1  }
0x8c: {  	s17 =	sshll.u32 s0, $0xA;
	s2 =	sadd.s32 s3, s2  }
0x8d: {  	s2 =	sadd.s32 s2, s17  }
0x8e: {  	[smem:$0x3FC2] =	sst s2  }
0x8f: {  	_ = 	snop  }
0x90: {  	s2 =	sld [smem:$0x3FC6]  }
0x91: {  	s18 =	sld [smem:$0x3FC5];
	(tm) =	ssettm $0x1  }
0x92: {  	s4 =	sld [smem:$0x3FFB];
	_ =	sdelay $0x3  }
0x93: {  	_ =	strace s4  }
0x94: {  	s4 =	sld [smem:$0x3FFC];
	_ =	sdelay $0x3  }
0x95: {  	_ =	strace s4  }
0x96: {  	s4 =	sld [smem:$0x3FFD];
	_ =	sdelay $0x3  }
0x97: {  	_ =	strace s4  }
0x98: {  	_ =	strace $0x8FFFFFFF  }
0x99: {  	s19 =	sld [smem:$0x3FDB];
	_ =	sdelay $0x1  }
0x9a: {  	s5 =	simm.s32 $_scs_section_size  }
0x9b: {  	s6 =	simm.s32 $_size__tile_overlayer_lowered;
	s7 =	simm.s32 $_tile_overlayer_lowered  }
0x9c: {  	s22 =	simm.s32 $0x1BFF;
	s21 =	sshll.u32 s7, $0x1;
	s4 =	sadd.s32 s5, s19  }
0x9d: {  	s8 =	simm.s32 $0x0;
	s20 =	sshll.u32 s6, $0x1;
	s6 =	sadd.s32 s21, s4  }
0x9e: {  	[timem:s8], [sflag:s22] =	dma.local [hbm:s6], s20  }
0x9f: {  	_ =	swait.ge [sflag:s22], s20  }
0xa0: {  	s5 =	ssub.s32 $0x0, s20;
	[sflag:s22] =	ssyncset.done $0x0  }
0xa1: {  	[sflag:s22] =	ssyncadd.s32 s5;
	_ =	sdelay $0x1  }
0xa2: {  	s23 =	simm.s32 $0x1B8B  }
0xa3: {  	_ =	swait.ge [sflag:s23], $0x1  }
0xa4: {  	[sflag:s23] =	ssyncset.done $0x0  }
0xa5: {  	s25 =	simm.s32 $0x1B8E;
	s24 =	sld [smem:$0x3FFE];
	[sflag:s23] =	ssyncadd.s32 $0xFFFFFFFF  }
0xa6: {  	s26 =	simm.s32 $execute0_lowered;
	[smem:$0x3FD2] =	sst s25  }
0xa7: {  	s6 =	sshll.u32 s26, $0x1;
	_ =	strace $0x80000046;
	[dreg:$0x1] =	wrdreg $0xFFFFFFFF  }
0xa8: {  	s28 =	simm.s32 $_size_execute0_lowered;
	s4 =	sadd.s32 s4, s6;
	[dreg:$0x0] =	wrdreg $0x0  }
0xa9: {  	s6 =	sshll.u32 s28, $0x1;
	[dreg:$0x2] =	wrdreg s4  }
0xaa: {  	[dreg:$0x3] =	wrdreg s6  }
0xab: {  	[dreg:$0x4] =	wrdreg $0xC0  }
0xac: {  	_ =	task [dreg:s8], $0x5FFFF  }
0xad: {  	[dreg:$0x1] =	wrdreg $0xFFFFFFFF  }
0xae: {  	[dreg:$0x0] =	wrdreg $0x60  }
0xaf: {  	[dreg:$0x2] =	wrdreg s24  }
0xb0: {  	[dreg:$0x3] =	wrdreg s2  }
0xb1: {  	[dreg:$0x4] =	wrdreg s18  }
0xb2: {  	[dreg:$0x5] =	wrdreg $0x9  }
0xb3: {  	_ =	task.clear_ibuf [dreg:s8], $0x6FFFF;
	_ =	strace $0x90000046  }
0xb4: {  	s29 =	simm.s32 $0x9;
	_ =	strace $0x80000048  }
0xb5: {  	_ =	swait.ge [sflag:s29], $0x1  }
0xb6: {  	[sflag:s29] =	ssyncadd.s32 $0xFFFFFFFF  }
0xb7: {  	_ =	strace $0x90000048  }
0xb8: {  	_ =	sfence  }
0xb9: {  	s30 =	sld [smem:$0x0];
	_ =	sdelay $0x2  }
0xba: {  	s31 =	sshll.u32 s1, $0xD;
	s1 =	sshrl.u32 s1, $0x2  }
0xbb: {  	s3 =	sand.u32 $0x4000, s31;
	s1 =	sadd.s32 s1, s30  }
0xbc: {  	s0 =	sor.u32 s3, s0;
	s1 =	sshll.u32 s1, $0x11  }
0xbd: {  	s0 =	sor.u32 s1, s0  }
0xbe: {  	s0 =	sadd.s32 $0x8F2B, s0  }
0xbf: {  	[sflag:s0] =	ssyncadd.remote.s32 $0x1  }
0xc0: {  	_ =	sfence.sel $0xFFFF  }
0xc1: {  	[dreg:$0x0] =	wrdreg $0xFFFFFFFF;
	(pc) =	sbr.abs _section_cstart, $3  }
0xc2: {  	[dreg:$0x1] =	wrdreg $0xFFFFFFFF  }
0xc3: {  	_ =	task.clear_ibuf [dreg:s8], $0x2FFFF;
	_ =	strace $0x9FFFFFFF  }
0xc4: {  	(tm) =	ssettm $0x7FFFFFFF  }
0xc5: {  	_ =	shalt  }
tec
execute0_lowered:
.L_overlay_start_1:
0x0: {  	(tag) =	ssettag $0x1  }
0x1: {  	s1 =	srdreg.scid;
	s9 =	rddreg [dreg:$0x0]  }
0x2: {  	s0 =	stileid.u32;
	s4 =	rddreg [dreg:$0x1]  }
0x3: {  	s3 =	rddreg [dreg:$0x2];
	s6 =	sand.u32 $0x1, s1;
	s30 =	sshll.u32 s0, $0x1  }
0x4: {  	s2 =	simm.s32 $0x0;
	s1 =	rddreg [dreg:$0x3];
	s10 =	sor.u32 s6, s30  }
0x5: {  	s8 =	simm.s32 $0x1;
	[smem:$0x7FF] =	sst s2;
	s5 =	sshll.u32 s10, $0x6  }
0x6: {  	p0 =	slt.u32 s0, $0x8;
	_ =	strace $0x80000047;
	s5 =	sadd.s32 $0xFFFFFC00, s5  }
0x7: {  	s11 =	ssub.s32 $0x2, s6;
	s7 =	sshll.u32 s10, $0x3;
	s5 =	sshrl.u32 s5, $0x3  }
0x8: {  	s6 =	simm.s32 $0x40;
	s4 =	sadd.s32 s4, s7;
	s3 =	sadd.s32 s3, s5  }
0x9: {  	s10 =	sshll.u32 s10, $0xA;
	s3 =	smov.u32 @p0 s4;
	s4 =	simm.s32 $0x2  }
0xa: {  	[tilespmem:s2], [sflag:$0x2] =	stream.linear.gather [hbm4b:s3+s2], $0x40, $0x38;
	[tilespmem:$0x2080] =	vst v63  }
0xb: {  	s12 =	sshrl.u32 s11, $0x1;
	s7 =	simm.s32 $0x80;
	_ =	swait.ge [sflag:s4], $0x40  }
0xc: {  	s31 =	ssub.s32 s11, s12;
	s5 =	sadd.s32 $0xC00, s9;
	[sflag:s4] =	ssyncset.done $0x0  }
0xd: {  	s9 =	sadd.s32 s10, s9;
	s10 =	smax.u32 s31, $0x1;
	[sflag:s4] =	ssyncadd.s32 $0xFFFFFFC0  }
0xe: {  	[tilespmem:s7], [sflag:$0x1] =	stream.indirect.gather [hbm4b:s5+s6], $0x80, s2, s6, $0xb8;
	[tilespmem:$0x2080] =	vst v63  }
0xf: {  	p0 =	sne.s32 s10, $0x1;
	_ =	swait.ge [sflag:s8], $0x2000  }
.Ltmp0:
0x10: {  	[sflag:s8] =	ssyncset.done $0x0;
	(pc) =	sbr.rel @!p0 .LBB2_2-.Ltmp0, $4  }
0x11: {  	s9 =	sadd.s32 $0x4C00, s9;
	[sflag:s8] =	ssyncadd.s32 $0xFFFFE000  }
0x12: {  	[hbm4b:s9+s2] =	stream.linear.scatter [tilespmem:s7], [sflag:$0x2], $0x2000, $0x38;
	[tilespmem:$0x2080] =	vst v63  }
0x13: {  	_ =	swait.ge [sflag:s4], $0x2000  }
0x14: {  	s10 =	sadd.s32 $0xFFFFFFFF, s10;
	[sflag:s4] =	ssyncset.done $0x0  }
.LBB2_1:
0x15: {  	p0 =	sne.s32 s10, $0x1;
	s10 =	sadd.s32 $0xFFFFFFFF, s10;
	[sflag:s4] =	ssyncadd.s32 $0xFFFFE000  }
0x16: {  	[tilespmem:s2], [sflag:$0x2] =	stream.linear.gather [hbm4b:s3+s2], $0x40, $0x38;
	[tilespmem:$0x2080] =	vst v63  }
0x17: {  	_ =	swait.ge [sflag:s4], $0x40  }
0x18: {  	[sflag:s4] =	ssyncset.done $0x0  }
0x19: {  	[sflag:s4] =	ssyncadd.s32 $0xFFFFFFC0  }
0x1a: {  	[tilespmem:s7], [sflag:$0x1] =	stream.indirect.gather [hbm4b:s5+s6], $0x80, s2, s6, $0xb8;
	[tilespmem:$0x2080] =	vst v63  }
0x1b: {  	_ =	swait.ge [sflag:s8], $0x2000  }
.Ltmp1:
0x1c: {  	[sflag:s8] =	ssyncset.done $0x0;
	(pc) =	sbr.rel @p0 .LBB2_1-.Ltmp1, $4  }
0x1d: {  	[sflag:s8] =	ssyncadd.s32 $0xFFFFE000  }
0x1e: {  	[hbm4b:s9+s2] =	stream.linear.scatter [tilespmem:s7], [sflag:$0x2], $0x2000, $0x38;
	[tilespmem:$0x2080] =	vst v63  }
0x1f: {  	_ =	swait.ge [sflag:s4], $0x2000  }
0x20: {  	[sflag:s4] =	ssyncset.done $0x0  }
.LBB2_2:
0x21: {  	[sflag:s4] =	ssyncadd.s32 $0xFFFFE000  }
0x22: {  	_ =	sfence.sel $0x180000  }
0x23: {  	[bflag:$0x0] =	sbarrier.arrive $0xFFFF  }
0x24: {  	p0 =	sne.s32 s0, $0x0;
	_ =	strace $0x90000047  }
0x25: {  	s0 =	sadd.s32 @!p0 $0x100000, s1;
	[bflag:$0x2] =	sbarrier.arrive $0xFFFF  }
0x26: {  	[sflag:s0] =	ssyncadd.tile.s32 @!p0 $0x1;
	_ =	shalt  }
.Lfunc_end2:
_tile_overlayer_lowered:
.L_overlay_start_2:
0x27: {  	(tag) =	ssettag $0x2  }
0x28: {  	s0 =	rddreg [dreg:$0x0];
	s2 =	stileid.u32  }
0x29: {  	s1 =	rddreg [dreg:$0x1];
	p0 =	sne.s32 s2, $0x0  }
0x2a: {  	s3 =	rddreg [dreg:$0x2];
	[bflag:$0x3] =	sbarrier.arrive $0xFFFF;
	s2 =	simm.s32 @!p0 $0x1C02  }
0x2b: {  	[timem:s3], [sflag:s2] =	dma.local @!p0 [hbm:s0], s1  }
0x2c: {  	s0 =	simm.s32 @!p0 $0x2  }
0x2d: {  	_ =	swait.ge @!p0 [sflag:s0], s1  }
0x2e: {  	s1 =	ssub.s32 @!p0 $0x0, s1;
	[sflag:s0] =	ssyncset.done @!p0 $0x0  }
0x2f: {  	[sflag:s0] =	ssyncadd.s32 @!p0 s1  }
0x30: {  	[bflag:$0x3] =	sbarrier.arrive $0xFFFF  }
0x31: {  	_ =	shalt  }

</sc_bundles>
